<compile_context>
chip_gen: v7x
topology: tpu7x:2x2x1
jax: 0.10.2.dev20260603
libtpu: 0.0.44.dev20260713+nightly
codegen_flags: <defaults>
</compile_context>

<pallas_src>
import functools

import jax
import jax.numpy as jnp
from jax import lax
from jax.experimental import pallas as pl
from jax.experimental.pallas import tpu as pltpu
from jax.experimental.pallas import tpu_sc as plsc

_BATCH = 1024
_SEQ = 200
_DIM = 64
_NC = 2
_NS = 16
_NW = _NC * _NS
_ROWS_PER_W = _BATCH * _SEQ // _NW
_CHUNK = 640
_NCHUNK = _ROWS_PER_W // _CHUNK


def _gather_kernel(x_hbm, tok_hbm, out_hbm, idx_v, buf0, buf1, sem0, sem1):
    c = lax.axis_index("c")
    s = lax.axis_index("s")
    wid = s * _NC + c
    pltpu.sync_copy(x_hbm.at[wid], idx_v)

    bufs = (buf0, buf1)
    sems = (sem0, sem1)

    pltpu.async_copy(tok_hbm.at[idx_v.at[0]], bufs[0], sems[0])

    def process(g, buf, sem):
        pltpu.make_async_copy(tok_hbm.at[idx_v.at[g]], buf, sem).wait()
        pltpu.sync_copy(buf, out_hbm.at[pl.ds(wid * _ROWS_PER_W + g * _CHUNK,
                                              _CHUNK)])

    def chunk_pair(i, carry):
        g = 2 * i
        pltpu.async_copy(tok_hbm.at[idx_v.at[g + 1]], bufs[1], sems[1])
        process(g, bufs[0], sems[0])

        @pl.when(g + 2 < _NCHUNK)
        def _():
            pltpu.async_copy(tok_hbm.at[idx_v.at[g + 2]], bufs[0], sems[0])
        process(g + 1, bufs[1], sems[1])
        return carry

    lax.fori_loop(0, _NCHUNK // 2, chunk_pair, 0)


def kernel(x, token_table, pos_table):
    x3 = x.astype(jnp.int32).reshape(_NW, _NCHUNK, _CHUNK)
    mesh = plsc.VectorSubcoreMesh(core_axis_name="c", subcore_axis_name="s",
                                  num_cores=_NC, num_subcores=_NS)
    run = functools.partial(
        pl.kernel,
        out_type=jax.ShapeDtypeStruct((_BATCH * _SEQ, _DIM), jnp.float32),
        mesh=mesh,
        compiler_params=pltpu.CompilerParams(use_tc_tiling_on_sc=False),
        scratch_types=[
            pltpu.VMEM((_NCHUNK, _CHUNK), jnp.int32),
            pltpu.VMEM((_CHUNK, _DIM), jnp.float32),
            pltpu.VMEM((_CHUNK, _DIM), jnp.float32),
            pltpu.SemaphoreType.DMA,
            pltpu.SemaphoreType.DMA,
        ],
    )(_gather_kernel)
    tok_emb = run(x3, token_table)
    return tok_emb.reshape(_BATCH, _SEQ, _DIM) + pos_table[None, :_SEQ, :]

# --- scband reference (transcript-rebuilt; emitter-appended) ---
"""Pipeline reference for scband-py-torch-native-embedding-8839042695270 (READ-ONLY COPY).

The authoritative reference and input builder live on the scoring server;
editing this copy changes nothing except your own understanding.
"""

import jax, jax.numpy as jnp
import numpy as np

VOCAB_SIZE = 1000000
EMB_DIM = 64
MAX_SEQ_LEN = 5000
BATCH = 1024
SEQ_LEN = 200


def setup_inputs(seed: int = 0) -> dict:
    key = jax.random.key(seed)
    k_x, k_tok, k_pos = jax.random.split(key, 3)
    x = jax.random.randint(k_x, (BATCH, SEQ_LEN), 0, VOCAB_SIZE, dtype=jnp.int64 if jax.config.jax_enable_x64 else jnp.int32)
    token_table = jax.random.normal(k_tok, (VOCAB_SIZE, EMB_DIM), dtype=jnp.float32)
    pos_table = jax.random.normal(k_pos, (MAX_SEQ_LEN, EMB_DIM), dtype=jnp.float32)
    return {"x": x, "token_table": token_table, "pos_table": pos_table}


def reference(x, token_table, pos_table):
    # token embedding lookup (gather)
    token_emb = jnp.take(token_table, x, axis=0)  # [B, S, D]
    # position embedding lookup
    batch_size, seq_len = x.shape
    positions = jnp.arange(seq_len)
    pos_emb = jnp.take(pos_table, positions, axis=0)  # [S, D]
    pos_emb = jnp.broadcast_to(pos_emb[None, :, :], (batch_size, seq_len, pos_emb.shape[-1]))
    embeddings = token_emb + pos_emb
    # dropout is identity at inference time
    return embeddings

if __name__ == "__main__":
    import jax
    _d = setup_inputs()
    print(jax.jit(kernel)(*tuple(_d.values())))

</pallas_src>

<mosaic_0001>
#map = affine_map<(d0, d1) -> (0, 0, 0)>
#map1 = affine_map<(d0, d1) -> (0, 0)>
module attributes {stable_mosaic.version = 14 : i64} {
  func.func @_gather_kernel(%arg0: i32, %arg1: i32, %arg2: memref<32x10x640xi32, #tpu.memory_space<hbm>>, %arg3: memref<1000000x64xf32, #tpu.memory_space<hbm>>, %arg4: memref<204800x64xf32, #tpu.memory_space<hbm>>, %arg5: memref<10x640xi32, #tpu.memory_space<vmem>>, %arg6: memref<640x64xf32, #tpu.memory_space<vmem>>, %arg7: memref<640x64xf32, #tpu.memory_space<vmem>>, %arg8: memref<!tpu.dma_semaphore, #tpu.memory_space<semaphore_mem>>, %arg9: memref<!tpu.dma_semaphore, #tpu.memory_space<semaphore_mem>>) attributes {dimension_semantics = [#tpu.dimension_semantics<core_parallel>, #tpu.dimension_semantics<subcore_parallel>], iteration_bounds = array<i64: 2, 16>, scalar_prefetch = 0 : i64, scratch_operands = 5 : i64, tpu.core_type = #tpu.core_type<sc_vector_subcore>, window_params = [{transform_indices = #map}, {transform_indices = #map1}, {transform_indices = #map1}]} {
    %mul3A = arith.constant 2 : i32
    %mul3A_0 = arith.muli %arg1, %mul3A : i32
    %add3A = arith.addi %mul3A_0, %arg0 : i32
    "tpu.region"() ({
      %run_scoped3A = tpu.sem_alloc : memref<!tpu.dma_semaphore, #tpu.memory_space<semaphore_mem>>
      %dma_start3A_12 = arith.constant 0 : i32
      %dma_start3A_13 = arith.constant 0 : i32
      %dma_start3A_14 = tpu.memref_slice %arg2[%add3A, %dma_start3A_12, %dma_start3A_13] : memref<32x10x640xi32, #tpu.memory_space<hbm>> -> memref<1x10x640xi32, #tpu.memory_space<hbm>>
      %dma_start3A_15 = tpu.memref_squeeze %dma_start3A_14 : memref<1x10x640xi32, #tpu.memory_space<hbm>> -> memref<10x640xi32, #tpu.memory_space<hbm>>
      %dma_start3A_16 = arith.constant 0 : i32
      %dma_start3A_17 = arith.constant 0 : i32
      %dma_start3A_18 = tpu.memref_slice %arg2[%add3A, %dma_start3A_16, %dma_start3A_17] : memref<32x10x640xi32, #tpu.memory_space<hbm>> -> memref<1x10x640xi32, #tpu.memory_space<hbm>>
      %dma_start3A_19 = tpu.memref_squeeze %dma_start3A_18 : memref<1x10x640xi32, #tpu.memory_space<hbm>> -> memref<10x640xi32, #tpu.memory_space<hbm>>
      tpu.enqueue_dma source(%dma_start3A_19 : memref<10x640xi32, #tpu.memory_space<hbm>>) target(%arg5 : memref<10x640xi32, #tpu.memory_space<vmem>>) target_semaphore(%run_scoped3A : memref<!tpu.dma_semaphore, #tpu.memory_space<semaphore_mem>>)
      %dma_wait3A = arith.constant 0 : i32
      %dma_wait3A_20 = arith.constant 0 : i32
      %dma_wait3A_21 = tpu.memref_slice %arg2[%add3A, %dma_wait3A, %dma_wait3A_20] : memref<32x10x640xi32, #tpu.memory_space<hbm>> -> memref<1x10x640xi32, #tpu.memory_space<hbm>>
      %dma_wait3A_22 = tpu.memref_squeeze %dma_wait3A_21 : memref<1x10x640xi32, #tpu.memory_space<hbm>> -> memref<10x640xi32, #tpu.memory_space<hbm>>
      %dma_wait3A_23 = arith.constant 0 : i32
      %dma_wait3A_24 = arith.constant 0 : i32
      %dma_wait3A_25 = tpu.memref_slice %arg2[%add3A, %dma_wait3A_23, %dma_wait3A_24] : memref<32x10x640xi32, #tpu.memory_space<hbm>> -> memref<1x10x640xi32, #tpu.memory_space<hbm>>
      %dma_wait3A_26 = tpu.memref_squeeze %dma_wait3A_25 : memref<1x10x640xi32, #tpu.memory_space<hbm>> -> memref<10x640xi32, #tpu.memory_space<hbm>>
      tpu.wait_dma2 semaphore(%run_scoped3A : memref<!tpu.dma_semaphore, #tpu.memory_space<semaphore_mem>>) src(%dma_wait3A_26 : memref<10x640xi32, #tpu.memory_space<hbm>>) dst(%arg5 : memref<10x640xi32, #tpu.memory_space<vmem>>)
      tpu.yield
    }) : () -> ()
    %dma_start3A = arith.constant 0 : i32
    %dma_start3A_1 = arith.constant 0 : i32
    %dma_start3A_2 = tpu.memref_slice %arg5[%dma_start3A, %dma_start3A_1] : memref<10x640xi32, #tpu.memory_space<vmem>> -> memref<1x640xi32, #tpu.memory_space<vmem>>
    %dma_start3A_3 = tpu.memref_squeeze %dma_start3A_2 : memref<1x640xi32, #tpu.memory_space<vmem>> -> memref<640xi32, #tpu.memory_space<vmem>>
    %dma_start3A_4 = arith.constant 0 : i32
    %dma_start3A_5 = arith.constant 0 : i32
    %dma_start3A_6 = tpu.memref_slice %arg3[%dma_start3A_4, %dma_start3A_5] : memref<1000000x64xf32, #tpu.memory_space<hbm>> -> memref<1000000x64xf32, #tpu.memory_space<hbm>>
    tpu.enqueue_indirect_dma source(%dma_start3A_6 : memref<1000000x64xf32, #tpu.memory_space<hbm>>) target(%arg6 : memref<640x64xf32, #tpu.memory_space<vmem>>) offsets(%dma_start3A_3 : memref<640xi32, #tpu.memory_space<vmem>>) semaphore(%arg8 : memref<!tpu.dma_semaphore, #tpu.memory_space<semaphore_mem>>)
    %scan3A = arith.constant 0 : i32
    %scan3A_7 = arith.constant 0 : i32
    %scan3A_8 = arith.constant 5 : i32
    %scan3A_9 = arith.addi %scan3A_7, %scan3A_8 : i32
    %scan3A_10 = arith.constant 1 : i32
    scf.for %scan3A_12 = %scan3A_7 to %scan3A_9 step %scan3A_10  : i32 {
      %mul3A_13 = arith.constant 2 : i32
      %mul3A_14 = arith.muli %mul3A_13, %scan3A_12 : i32
      %add3A_15 = arith.constant 1 : i32
      %add3A_16 = arith.addi %mul3A_14, %add3A_15 : i32
      %dma_start3A_17 = arith.constant 0 : i32
      %dma_start3A_18 = tpu.memref_slice %arg5[%add3A_16, %dma_start3A_17] : memref<10x640xi32, #tpu.memory_space<vmem>> -> memref<1x640xi32, #tpu.memory_space<vmem>>
      %dma_start3A_19 = tpu.memref_squeeze %dma_start3A_18 : memref<1x640xi32, #tpu.memory_space<vmem>> -> memref<640xi32, #tpu.memory_space<vmem>>
      %dma_start3A_20 = arith.constant 0 : i32
      %dma_start3A_21 = arith.constant 0 : i32
      %dma_start3A_22 = tpu.memref_slice %arg3[%dma_start3A_20, %dma_start3A_21] : memref<1000000x64xf32, #tpu.memory_space<hbm>> -> memref<1000000x64xf32, #tpu.memory_space<hbm>>
      tpu.enqueue_indirect_dma source(%dma_start3A_22 : memref<1000000x64xf32, #tpu.memory_space<hbm>>) target(%arg7 : memref<640x64xf32, #tpu.memory_space<vmem>>) offsets(%dma_start3A_19 : memref<640xi32, #tpu.memory_space<vmem>>) semaphore(%arg9 : memref<!tpu.dma_semaphore, #tpu.memory_space<semaphore_mem>>)
      %dma_wait3A = arith.constant 0 : i32
      %dma_wait3A_23 = tpu.memref_slice %arg5[%mul3A_14, %dma_wait3A] : memref<10x640xi32, #tpu.memory_space<vmem>> -> memref<1x640xi32, #tpu.memory_space<vmem>>
      %dma_wait3A_24 = tpu.memref_squeeze %dma_wait3A_23 : memref<1x640xi32, #tpu.memory_space<vmem>> -> memref<640xi32, #tpu.memory_space<vmem>>
      %dma_wait3A_25 = arith.constant 0 : i32
      %dma_wait3A_26 = arith.constant 0 : i32
      %dma_wait3A_27 = tpu.memref_slice %arg3[%dma_wait3A_25, %dma_wait3A_26] : memref<1000000x64xf32, #tpu.memory_space<hbm>> -> memref<1000000x64xf32, #tpu.memory_space<hbm>>
      tpu.wait_indirect_dma semaphore(%arg8 : memref<!tpu.dma_semaphore, #tpu.memory_space<semaphore_mem>>) src(%dma_wait3A_27 : memref<1000000x64xf32, #tpu.memory_space<hbm>>) dst(%arg6 : memref<640x64xf32, #tpu.memory_space<vmem>>)
      %mul3A_28 = arith.constant 6400 : i32
      %mul3A_29 = arith.muli %add3A, %mul3A_28 : i32
      %mul3A_30 = arith.constant 640 : i32
      %mul3A_31 = arith.muli %mul3A_14, %mul3A_30 : i32
      %add3A_32 = arith.addi %mul3A_29, %mul3A_31 : i32
      "tpu.region"() ({
        %run_scoped3A = tpu.sem_alloc : memref<!tpu.dma_semaphore, #tpu.memory_space<semaphore_mem>>
        %dma_start3A_50 = arith.constant 0 : i32
        %dma_start3A_51 = tpu.memref_slice %arg4[%add3A_32, %dma_start3A_50] : memref<204800x64xf32, #tpu.memory_space<hbm>> -> memref<640x64xf32, #tpu.memory_space<hbm>>
        %dma_start3A_52 = arith.constant 0 : i32
        %dma_start3A_53 = tpu.memref_slice %arg4[%add3A_32, %dma_start3A_52] : memref<204800x64xf32, #tpu.memory_space<hbm>> -> memref<640x64xf32, #tpu.memory_space<hbm>>
        tpu.enqueue_dma source(%arg6 : memref<640x64xf32, #tpu.memory_space<vmem>>) target(%dma_start3A_53 : memref<640x64xf32, #tpu.memory_space<hbm>>) target_semaphore(%run_scoped3A : memref<!tpu.dma_semaphore, #tpu.memory_space<semaphore_mem>>)
        %dma_wait3A_54 = arith.constant 0 : i32
        %dma_wait3A_55 = tpu.memref_slice %arg4[%add3A_32, %dma_wait3A_54] : memref<204800x64xf32, #tpu.memory_space<hbm>> -> memref<640x64xf32, #tpu.memory_space<hbm>>
        %dma_wait3A_56 = arith.constant 0 : i32
        %dma_wait3A_57 = tpu.memref_slice %arg4[%add3A_32, %dma_wait3A_56] : memref<204800x64xf32, #tpu.memory_space<hbm>> -> memref<640x64xf32, #tpu.memory_space<hbm>>
        tpu.wait_dma2 semaphore(%run_scoped3A : memref<!tpu.dma_semaphore, #tpu.memory_space<semaphore_mem>>) src(%arg6 : memref<640x64xf32, #tpu.memory_space<vmem>>) dst(%dma_wait3A_57 : memref<640x64xf32, #tpu.memory_space<hbm>>)
        tpu.yield
      }) : () -> ()
      %add3A_33 = arith.constant 2 : i32
      %add3A_34 = arith.addi %mul3A_14, %add3A_33 : i32
      %lt3A = arith.constant 10 : i32
      %lt3A_35 = arith.cmpi slt, %add3A_34, %lt3A : i32
      %convert_element_type3A = arith.extui %lt3A_35 : i1 to i32
      %cond3A = arith.constant 0 : i32
      %cond3A_36 = arith.cmpi ne, %convert_element_type3A, %cond3A : i32
      scf.if %cond3A_36 {
        %add3A_50 = arith.constant 2 : i32
        %add3A_51 = arith.addi %mul3A_14, %add3A_50 : i32
        %dma_start3A_52 = arith.constant 0 : i32
        %dma_start3A_53 = tpu.memref_slice %arg5[%add3A_51, %dma_start3A_52] : memref<10x640xi32, #tpu.memory_space<vmem>> -> memref<1x640xi32, #tpu.memory_space<vmem>>
        %dma_start3A_54 = tpu.memref_squeeze %dma_start3A_53 : memref<1x640xi32, #tpu.memory_space<vmem>> -> memref<640xi32, #tpu.memory_space<vmem>>
        %dma_start3A_55 = arith.constant 0 : i32
        %dma_start3A_56 = arith.constant 0 : i32
        %dma_start3A_57 = tpu.memref_slice %arg3[%dma_start3A_55, %dma_start3A_56] : memref<1000000x64xf32, #tpu.memory_space<hbm>> -> memref<1000000x64xf32, #tpu.memory_space<hbm>>
        tpu.enqueue_indirect_dma source(%dma_start3A_57 : memref<1000000x64xf32, #tpu.memory_space<hbm>>) target(%arg6 : memref<640x64xf32, #tpu.memory_space<vmem>>) offsets(%dma_start3A_54 : memref<640xi32, #tpu.memory_space<vmem>>) semaphore(%arg8 : memref<!tpu.dma_semaphore, #tpu.memory_space<semaphore_mem>>)
      } else {
      }
      %add3A_37 = arith.constant 1 : i32
      %add3A_38 = arith.addi %mul3A_14, %add3A_37 : i32
      %dma_wait3A_39 = arith.constant 0 : i32
      %dma_wait3A_40 = tpu.memref_slice %arg5[%add3A_38, %dma_wait3A_39] : memref<10x640xi32, #tpu.memory_space<vmem>> -> memref<1x640xi32, #tpu.memory_space<vmem>>
      %dma_wait3A_41 = tpu.memref_squeeze %dma_wait3A_40 : memref<1x640xi32, #tpu.memory_space<vmem>> -> memref<640xi32, #tpu.memory_space<vmem>>
      %dma_wait3A_42 = arith.constant 0 : i32
      %dma_wait3A_43 = arith.constant 0 : i32
      %dma_wait3A_44 = tpu.memref_slice %arg3[%dma_wait3A_42, %dma_wait3A_43] : memref<1000000x64xf32, #tpu.memory_space<hbm>> -> memref<1000000x64xf32, #tpu.memory_space<hbm>>
      tpu.wait_indirect_dma semaphore(%arg9 : memref<!tpu.dma_semaphore, #tpu.memory_space<semaphore_mem>>) src(%dma_wait3A_44 : memref<1000000x64xf32, #tpu.memory_space<hbm>>) dst(%arg7 : memref<640x64xf32, #tpu.memory_space<vmem>>)
      %mul3A_45 = arith.constant 6400 : i32
      %mul3A_46 = arith.muli %add3A, %mul3A_45 : i32
      %mul3A_47 = arith.constant 640 : i32
      %mul3A_48 = arith.muli %add3A_38, %mul3A_47 : i32
      %add3A_49 = arith.addi %mul3A_46, %mul3A_48 : i32
      "tpu.region"() ({
        %run_scoped3A = tpu.sem_alloc : memref<!tpu.dma_semaphore, #tpu.memory_space<semaphore_mem>>
        %dma_start3A_50 = arith.constant 0 : i32
        %dma_start3A_51 = tpu.memref_slice %arg4[%add3A_49, %dma_start3A_50] : memref<204800x64xf32, #tpu.memory_space<hbm>> -> memref<640x64xf32, #tpu.memory_space<hbm>>
        %dma_start3A_52 = arith.constant 0 : i32
        %dma_start3A_53 = tpu.memref_slice %arg4[%add3A_49, %dma_start3A_52] : memref<204800x64xf32, #tpu.memory_space<hbm>> -> memref<640x64xf32, #tpu.memory_space<hbm>>
        tpu.enqueue_dma source(%arg7 : memref<640x64xf32, #tpu.memory_space<vmem>>) target(%dma_start3A_53 : memref<640x64xf32, #tpu.memory_space<hbm>>) target_semaphore(%run_scoped3A : memref<!tpu.dma_semaphore, #tpu.memory_space<semaphore_mem>>)
        %dma_wait3A_54 = arith.constant 0 : i32
        %dma_wait3A_55 = tpu.memref_slice %arg4[%add3A_49, %dma_wait3A_54] : memref<204800x64xf32, #tpu.memory_space<hbm>> -> memref<640x64xf32, #tpu.memory_space<hbm>>
        %dma_wait3A_56 = arith.constant 0 : i32
        %dma_wait3A_57 = tpu.memref_slice %arg4[%add3A_49, %dma_wait3A_56] : memref<204800x64xf32, #tpu.memory_space<hbm>> -> memref<640x64xf32, #tpu.memory_space<hbm>>
        tpu.wait_dma2 semaphore(%run_scoped3A : memref<!tpu.dma_semaphore, #tpu.memory_space<semaphore_mem>>) src(%arg7 : memref<640x64xf32, #tpu.memory_space<vmem>>) dst(%dma_wait3A_57 : memref<640x64xf32, #tpu.memory_space<hbm>>)
        tpu.yield
      }) : () -> ()
    }
    %scan3A_11 = arith.constant 5 : i32
    return
  }
}

</mosaic_0001>

<sc_bundles>
// kernel: kernel.3.cloned.1.call-start
scs
__scs_entry_jumppad:
0x0: {  	(pc) =	sbr.rel $0x88, $3  }
0x1: {  	(tag) =	ssettag $0x0;
	lr =	simm.s32 $0x1  }
0x2: {  	[smem:$0x3F9E] =	sst lr;
	_ =	strace $0xD0000000  }
0x3: {  	_ = 	snop  }
0x4: {  	_ = 	snop  }
0x5: {  	_ = 	snop  }
0x6: {  	_ = 	snop  }
0x7: {  	_ = 	snop  }
__scs_overlays_trampoline_lowered:
0x8: {  	[smem:$0x3FAD] =	sst s0  }
0x9: {  	[smem:$0x3FAE] =	sst s1  }
0xa: {  	[smem:$0x3FAF] =	sst s2  }
0xb: {  	[smem:$0x3FB0] =	sst s3  }
0xc: {  	[smem:$0x3FB1] =	sst s4  }
0xd: {  	[smem:$0x3FB2] =	sst s5  }
0xe: {  	[smem:$0x3FB3] =	sst s6  }
0xf: {  	[smem:$0x3FB4] =	sst s7  }
0x10: {  	[smem:$0x3FB5] =	sst s8  }
0x11: {  	[smem:$0x3FB6] =	sst s9;
	s0 =	simm.s32 @!p0 $0x0  }
0x12: {  	s1 =	sld [smem:$0x3F9C];
	s0 =	simm.s32 @p0 $0x1  }
0x13: {  	[smem:$0x3FB7] =	sst s0;
	s0 =	simm.s32 @!p1 $0x0  }
0x14: {  	s2 =	sld [smem:$0x3F9B];
	s0 =	simm.s32 @p1 $0x1  }
0x15: {  	[smem:$0x3FB8] =	sst s0;
	s0 =	simm.s32 @!p2 $0x0  }
0x16: {  	s3 =	sld [smem:$0x3FDB];
	s0 =	simm.s32 @p2 $0x1  }
0x17: {  	s4 =	simm.s32 $0x1BF5;
	[smem:$0x3FBA] =	sst s0  }
0x18: {  	s0 =	sld [smem:$0x3F9D];
	_ =	swait.ge [sflag:s4], $0x0  }
0x19: {  	s7 =	sld [smem:$0x3F9E]  }
0x1a: {  	s8 =	sadd.s32 $0xFFFFE003, lr  }
0x1b: {  	s9 =	sadd.s32 $0xFFFFFEF7, lr;
	s5 =	simm.s32 $0xFFFFFFFF;
	p2 =	slt.u32 s8, $0xFFFFF086  }
0x1c: {  	p1 =	slt.u32 s9, $0xF7A;
	s5 =	simm.s32 @!p2 $0x0  }
0x1d: {  	s5 =	simm.s32 @p1 $0x1;
	p0 =	seq.s32 s7, s2  }
0x1e: {  	s7 =	smul.u32 @!p0 $0xF7A, s2;
	p2 =	seq.s32 @!p0 s5, $0x0  }
0x1f: {  	s9 =	smul.u32 $0xF7A, s1;
	s8 =	simm.s32 @!p0 $0x1BF5;
	p2 =	por !p2, p0  }
0x20: {  	[sflag:s8] =	ssyncset.s32 @!p0 $0xFFFFF086;
	s6 =	sadd.s32 @!p0 s3, s7;
	s7 =	simm.s32 @!p0 $0x108  }
0x21: {  	s3 =	sadd.s32 s3, s9;
	s6 =	sadd.s32 @!p0 $0x88, s6;
	s7 =	simm.s32 @p2 $0x1082  }
0x22: {  	[simem:s7], [sflag:s8] =	dma.local @!p0 [hbm:s6], $0xF7A  }
0x23: {  	s9 =	sor.u32 $0xD0000000, s2;
	s6 =	simm.s32 $0x108;
	_ =	swait.ge @!p0 [sflag:s8], $0x0  }
0x24: {  	s3 =	sadd.s32 $0x88, s3;
	s6 =	simm.s32 @!p1 $0x1082;
	[sflag:s4] =	ssyncset.s32 $0xFFFFF086  }
0x25: {  	[simem:s6], [sflag:s4] =	dma.local [hbm:s3], $0xF7A  }
0x26: {  	[smem:$0x3F9E] =	sst s1;
	(tag) =	ssettag s2;
	_ =	strace s9  }
0x27: {  	s1 =	sld [smem:$0x3FAE]  }
0x28: {  	s2 =	sld [smem:$0x3FAF]  }
0x29: {  	s4 =	sld [smem:$0x3FB1]  }
0x2a: {  	p0 =	seq.s32 s5, $0x0;
	s5 =	sld [smem:$0x3FB2]  }
0x2b: {  	s6 =	sld [smem:$0x3FB3]  }
0x2c: {  	s7 =	sld [smem:$0x3FB4]  }
0x2d: {  	s3 =	simm.s32 $0x108;
	s8 =	sld [smem:$0x3FB5]  }
0x2e: {  	s3 =	simm.s32 @!p0 $0x1082;
	s9 =	sld [smem:$0x3FB6]  }
0x2f: {  	lr =	sadd.s32 s0, s3;
	s0 =	sld [smem:$0x3FAD]  }
0x30: {  	s3 =	sld [smem:$0x3FB0]  }
0x31: {  	[smem:$0x3FB9] =	sst s10  }
0x32: {  	s10 =	sld [smem:$0x3FB7];
	_ =	sdelay $0x3  }
0x33: {  	p0 =	seq.s32 s10, $0x1;
	s10 =	sld [smem:$0x3FB9];
	_ =	sdelay $0x3  }
0x34: {  	[smem:$0x3FB9] =	sst s10  }
0x35: {  	s10 =	sld [smem:$0x3FB8];
	_ =	sdelay $0x3  }
0x36: {  	p1 =	seq.s32 s10, $0x1;
	s10 =	sld [smem:$0x3FB9];
	_ =	sdelay $0x3  }
0x37: {  	[smem:$0x3FB9] =	sst s10  }
0x38: {  	s10 =	sld [smem:$0x3FBA]  }
0x39: {  	_ = 	snop;
	(pc) =	sbr.ind lr, $3  }
0x3a: {  	_ = 	snop  }
0x3b: {  	_ = 	snop  }
0x3c: {  	p2 =	seq.s32 s10, $0x1;
	s10 =	sld [smem:$0x3FB9]  }
0x3d: {  	_ =	shalt  }
0x3e: {  	_ =	shalt  }
0x3f: {  	_ =	shalt  }
0x40: {  	_ =	shalt  }
0x41: {  	_ =	shalt  }
0x42: {  	_ =	shalt  }
0x43: {  	_ =	shalt  }
0x44: {  	_ =	shalt  }
0x45: {  	_ =	shalt  }
0x46: {  	_ =	shalt  }
0x47: {  	_ =	shalt  }
0x48: {  	_ =	shalt  }
0x49: {  	_ =	shalt  }
0x4a: {  	_ =	shalt  }
0x4b: {  	_ =	shalt  }
0x4c: {  	_ =	shalt  }
0x4d: {  	_ =	shalt  }
0x4e: {  	_ =	shalt  }
0x4f: {  	_ =	shalt  }
0x50: {  	_ =	shalt  }
0x51: {  	_ =	shalt  }
0x52: {  	_ =	shalt  }
0x53: {  	_ =	shalt  }
0x54: {  	_ =	shalt  }
0x55: {  	_ =	shalt  }
0x56: {  	_ =	shalt  }
0x57: {  	_ =	shalt  }
0x58: {  	_ =	shalt  }
0x59: {  	_ =	shalt  }
0x5a: {  	_ =	shalt  }
0x5b: {  	_ =	shalt  }
0x5c: {  	_ =	shalt  }
0x5d: {  	_ =	shalt  }
0x5e: {  	_ =	shalt  }
0x5f: {  	_ =	shalt  }
0x60: {  	_ =	shalt  }
0x61: {  	_ =	shalt  }
0x62: {  	_ =	shalt  }
0x63: {  	_ =	shalt  }
0x64: {  	_ =	shalt  }
0x65: {  	_ =	shalt  }
0x66: {  	_ =	shalt  }
0x67: {  	_ =	shalt  }
0x68: {  	_ =	shalt  }
0x69: {  	_ =	shalt  }
0x6a: {  	_ =	shalt  }
0x6b: {  	_ =	shalt  }
0x6c: {  	_ =	shalt  }
0x6d: {  	_ =	shalt  }
0x6e: {  	_ =	shalt  }
0x6f: {  	_ =	shalt  }
0x70: {  	_ =	shalt  }
0x71: {  	_ =	shalt  }
0x72: {  	_ =	shalt  }
0x73: {  	_ =	shalt  }
0x74: {  	_ =	shalt  }
0x75: {  	_ =	shalt  }
0x76: {  	_ =	shalt  }
0x77: {  	_ =	shalt  }
0x78: {  	_ =	shalt  }
0x79: {  	_ =	shalt  }
0x7a: {  	_ =	shalt  }
0x7b: {  	_ =	shalt  }
0x7c: {  	_ =	shalt  }
0x7d: {  	_ =	shalt  }
0x7e: {  	_ =	shalt  }
0x7f: {  	_ =	shalt  }
0x80: {  	_ =	shalt  }
0x81: {  	_ =	shalt  }
0x82: {  	_ =	shalt  }
0x83: {  	_ =	shalt  }
0x84: {  	_ =	shalt  }
0x85: {  	_ =	shalt  }
0x86: {  	_ =	shalt  }
0x87: {  	_ =	shalt  }
.Lfunc_end0:
.L_simem_size_0:
called_computation.1_lowered:
.L_overlay_start_0:
0x88: {  	s2 =	sld [smem:$0x3FD9]  }
0x89: {  	s3 =	sld [smem:$0x3FFE];
	_ =	sdelay $0x1  }
0x8a: {  	s1 =	srdreg.scid  }
0x8b: {  	s0 =	sand.u32 $0x1, s1  }
0x8c: {  	s17 =	sshll.u32 s0, $0xA;
	s2 =	sadd.s32 s3, s2  }
0x8d: {  	s2 =	sadd.s32 s2, s17  }
0x8e: {  	[smem:$0x3FC5] =	sst s2  }
0x8f: {  	_ = 	snop  }
0x90: {  	s2 =	sld [smem:$0x3FD0];
	(tm) =	ssettm $0x1  }
0x91: {  	s18 =	sld [smem:$0x3FFB];
	_ =	sdelay $0x3  }
0x92: {  	_ =	strace s18  }
0x93: {  	s3 =	sld [smem:$0x3FFC];
	_ =	sdelay $0x3  }
0x94: {  	_ =	strace s3  }
0x95: {  	s3 =	sld [smem:$0x3FFD];
	_ =	sdelay $0x3  }
0x96: {  	_ =	strace s3  }
0x97: {  	_ =	strace $0x8FFFFFFF  }
0x98: {  	s19 =	sld [smem:$0x3FDB];
	_ =	sdelay $0x1  }
0x99: {  	s4 =	simm.s32 $_scs_section_size  }
0x9a: {  	s5 =	simm.s32 $_size__tile_overlayer_lowered;
	s6 =	simm.s32 $_tile_overlayer_lowered  }
0x9b: {  	s22 =	simm.s32 $0x1BFF;
	s21 =	sshll.u32 s6, $0x1;
	s3 =	sadd.s32 s4, s19  }
0x9c: {  	s7 =	simm.s32 $0x0;
	s20 =	sshll.u32 s5, $0x1;
	s5 =	sadd.s32 s21, s3  }
0x9d: {  	[timem:s7], [sflag:s22] =	dma.local [hbm:s5], s20  }
0x9e: {  	_ =	swait.ge [sflag:s22], s20  }
0x9f: {  	s4 =	ssub.s32 $0x0, s20;
	[sflag:s22] =	ssyncset.done $0x0  }
0xa0: {  	[sflag:s22] =	ssyncadd.s32 s4;
	_ =	sdelay $0x1  }
0xa1: {  	s23 =	simm.s32 $0x1B8B  }
0xa2: {  	_ =	swait.ge [sflag:s23], $0x1  }
0xa3: {  	[sflag:s23] =	ssyncset.done $0x0  }
0xa4: {  	s25 =	simm.s32 $0x1B8E;
	s24 =	sld [smem:$0x3FFE];
	[sflag:s23] =	ssyncadd.s32 $0xFFFFFFFF  }
0xa5: {  	s26 =	simm.s32 $execute0_lowered;
	[smem:$0x3FD2] =	sst s25  }
0xa6: {  	s5 =	sshll.u32 s26, $0x1;
	_ =	strace $0x80000046;
	[dreg:$0x1] =	wrdreg $0xFFFFFFFF  }
0xa7: {  	s28 =	simm.s32 $_size_execute0_lowered;
	s3 =	sadd.s32 s3, s5;
	[dreg:$0x0] =	wrdreg $0x0  }
0xa8: {  	s5 =	sshll.u32 s28, $0x1;
	[dreg:$0x2] =	wrdreg s3  }
0xa9: {  	[dreg:$0x3] =	wrdreg s5  }
0xaa: {  	[dreg:$0x4] =	wrdreg $0xC0  }
0xab: {  	_ =	task [dreg:s7], $0x5FFFF  }
0xac: {  	[dreg:$0x1] =	wrdreg $0xFFFFFFFF  }
0xad: {  	[dreg:$0x0] =	wrdreg $0x60  }
0xae: {  	[dreg:$0x2] =	wrdreg s24  }
0xaf: {  	[dreg:$0x3] =	wrdreg s2  }
0xb0: {  	[dreg:$0x4] =	wrdreg $0x9  }
0xb1: {  	_ =	task.clear_ibuf [dreg:s7], $0x5FFFF;
	_ =	strace $0x90000046  }
0xb2: {  	s29 =	simm.s32 $0x9;
	_ =	strace $0x80000048  }
0xb3: {  	_ =	swait.ge [sflag:s29], $0x1  }
0xb4: {  	[sflag:s29] =	ssyncadd.s32 $0xFFFFFFFF  }
0xb5: {  	_ =	strace $0x90000048  }
0xb6: {  	_ =	sfence  }
0xb7: {  	s30 =	sld [smem:$0x0];
	_ =	sdelay $0x2  }
0xb8: {  	s31 =	sshll.u32 s1, $0xD;
	s1 =	sshrl.u32 s1, $0x2  }
0xb9: {  	s3 =	sand.u32 $0x4000, s31;
	s1 =	sadd.s32 s1, s30  }
0xba: {  	s0 =	sor.u32 s3, s0;
	s1 =	sshll.u32 s1, $0x11  }
0xbb: {  	s0 =	sor.u32 s1, s0  }
0xbc: {  	s0 =	sadd.s32 $0x8F2B, s0  }
0xbd: {  	[sflag:s0] =	ssyncadd.remote.s32 $0x1  }
0xbe: {  	_ =	sfence.sel $0xFFFF  }
0xbf: {  	[dreg:$0x0] =	wrdreg $0xFFFFFFFF;
	(pc) =	sbr.abs _section_cstart, $3  }
0xc0: {  	[dreg:$0x1] =	wrdreg $0xFFFFFFFF  }
0xc1: {  	_ =	task.clear_ibuf [dreg:s7], $0x2FFFF;
	_ =	strace $0x9FFFFFFF  }
0xc2: {  	(tm) =	ssettm $0x7FFFFFFF  }
0xc3: {  	_ =	shalt  }
tec
execute0_lowered:
.L_overlay_start_1:
0x0: {  	(tag) =	ssettag $0x1  }
0x1: {  	s1 =	srdreg.scid;
	s0 =	stileid.u32  }
0x2: {  	s29 =	sand.u32 $0x1, s1;
	s31 =	sshll.u32 s0, $0x1  }
0x3: {  	s5 =	rddreg [dreg:$0x0];
	s10 =	sor.u32 s29, s31  }
0x4: {  	s11 =	rddreg [dreg:$0x1];
	s3 =	smul.u32 $0x320, s10  }
0x5: {  	s2 =	simm.s32 $0x0;
	s1 =	rddreg [dreg:$0x2]  }
0x6: {  	[smem:$0x7FF] =	sst s2;
	s3 =	sadd.s32 s3, s5  }
0x7: {  	_ =	strace $0x80000047;
	s4 =	sadd.s32 $0xE00, s3;
	s3 =	simm.s32 $0x3  }
0x8: {  	[tilespmem:s2], [sflag:$0x3] =	stream.linear.gather [hbm4b:s4+s2], $0x1900, $0x38;
	[tilespmem:$0x15900] =	vst v63  }
0x9: {  	_ =	swait.ge [sflag:s3], $0x1900  }
0xa: {  	s6 =	simm.s32 $0x280;
	[sflag:s3] =	ssyncset.done $0x0  }
0xb: {  	s7 =	simm.s32 $0x1900;
	s5 =	sadd.s32 $0xF43200, s5;
	[sflag:s3] =	ssyncadd.s32 $0xFFFFE700  }
0xc: {  	[tilespmem:s7], [sflag:$0x1] =	stream.indirect.gather [hbm4b:s5+s6], $0x40, s2, s6, $0xb8;
	[tilespmem:$0x15900] =	vst v63  }
0xd: {  	s8 =	simm.s32 $0xB900;
	s9 =	simm.s32 $0x1  }
0xe: {  	[tilespmem:s8], [sflag:$0x2] =	stream.indirect.gather [hbm4b:s5+s6], $0x40, s6, s6, $0xb8;
	[tilespmem:$0x15900] =	vst v63  }
0xf: {  	s10 =	smul.u32 $0xC800, s10;
	_ =	swait.ge [sflag:s9], $0xA000  }
0x10: {  	[sflag:s9] =	ssyncset.done $0x0  }
0x11: {  	s10 =	sadd.s32 s11, s10;
	[sflag:s9] =	ssyncadd.s32 $0xFFFF6000  }
0x12: {  	[hbm4b:s10+s2] =	stream.linear.scatter [tilespmem:s7], [sflag:$0x3], $0xA000, $0x38;
	[tilespmem:$0x15900] =	vst v63  }
0x13: {  	_ =	swait.ge [sflag:s3], $0xA000  }
0x14: {  	[sflag:s3] =	ssyncset.done $0x0  }
0x15: {  	s12 =	simm.s32 $0x2;
	s11 =	simm.s32 $0x500;
	[sflag:s3] =	ssyncadd.s32 $0xFFFF6000  }
0x16: {  	[tilespmem:s7], [sflag:$0x1] =	stream.indirect.gather [hbm4b:s5+s6], $0x40, s11, s6, $0xb8;
	[tilespmem:$0x15900] =	vst v63  }
0x17: {  	_ =	swait.ge [sflag:s12], $0xA000  }
0x18: {  	[sflag:s12] =	ssyncset.done $0x0  }
0x19: {  	s13 =	sadd.s32 $0x1400, s10;
	[sflag:s12] =	ssyncadd.s32 $0xFFFF6000  }
0x1a: {  	[hbm4b:s13+s2] =	stream.linear.scatter [tilespmem:s8], [sflag:$0x3], $0xA000, $0x38;
	[tilespmem:$0x15900] =	vst v63  }
0x1b: {  	_ =	swait.ge [sflag:s3], $0xA000  }
0x1c: {  	[sflag:s3] =	ssyncset.done $0x0  }
0x1d: {  	s14 =	simm.s32 $0x780;
	[sflag:s3] =	ssyncadd.s32 $0xFFFF6000  }
0x1e: {  	[tilespmem:s8], [sflag:$0x2] =	stream.indirect.gather [hbm4b:s5+s6], $0x40, s14, s6, $0xb8;
	[tilespmem:$0x15900] =	vst v63  }
0x1f: {  	_ =	swait.ge [sflag:s9], $0xA000  }
0x20: {  	[sflag:s9] =	ssyncset.done $0x0  }
0x21: {  	s15 =	sadd.s32 $0x2800, s10;
	[sflag:s9] =	ssyncadd.s32 $0xFFFF6000  }
0x22: {  	[hbm4b:s15+s2] =	stream.linear.scatter [tilespmem:s7], [sflag:$0x3], $0xA000, $0x38;
	[tilespmem:$0x15900] =	vst v63  }
0x23: {  	_ =	swait.ge [sflag:s3], $0xA000  }
0x24: {  	[sflag:s3] =	ssyncset.done $0x0  }
0x25: {  	s16 =	simm.s32 $0xA00;
	[sflag:s3] =	ssyncadd.s32 $0xFFFF6000  }
0x26: {  	[tilespmem:s7], [sflag:$0x1] =	stream.indirect.gather [hbm4b:s5+s6], $0x40, s16, s6, $0xb8;
	[tilespmem:$0x15900] =	vst v63  }
0x27: {  	_ =	swait.ge [sflag:s12], $0xA000  }
0x28: {  	[sflag:s12] =	ssyncset.done $0x0  }
0x29: {  	s17 =	sadd.s32 $0x3C00, s10;
	[sflag:s12] =	ssyncadd.s32 $0xFFFF6000  }
0x2a: {  	[hbm4b:s17+s2] =	stream.linear.scatter [tilespmem:s8], [sflag:$0x3], $0xA000, $0x38;
	[tilespmem:$0x15900] =	vst v63  }
0x2b: {  	_ =	swait.ge [sflag:s3], $0xA000  }
0x2c: {  	[sflag:s3] =	ssyncset.done $0x0  }
0x2d: {  	s18 =	simm.s32 $0xC80;
	[sflag:s3] =	ssyncadd.s32 $0xFFFF6000  }
0x2e: {  	[tilespmem:s8], [sflag:$0x2] =	stream.indirect.gather [hbm4b:s5+s6], $0x40, s18, s6, $0xb8;
	[tilespmem:$0x15900] =	vst v63  }
0x2f: {  	_ =	swait.ge [sflag:s9], $0xA000  }
0x30: {  	[sflag:s9] =	ssyncset.done $0x0  }
0x31: {  	s19 =	sadd.s32 $0x5000, s10;
	[sflag:s9] =	ssyncadd.s32 $0xFFFF6000  }
0x32: {  	[hbm4b:s19+s2] =	stream.linear.scatter [tilespmem:s7], [sflag:$0x3], $0xA000, $0x38;
	[tilespmem:$0x15900] =	vst v63  }
0x33: {  	_ =	swait.ge [sflag:s3], $0xA000  }
0x34: {  	[sflag:s3] =	ssyncset.done $0x0  }
0x35: {  	s20 =	simm.s32 $0xF00;
	[sflag:s3] =	ssyncadd.s32 $0xFFFF6000  }
0x36: {  	[tilespmem:s7], [sflag:$0x1] =	stream.indirect.gather [hbm4b:s5+s6], $0x40, s20, s6, $0xb8;
	[tilespmem:$0x15900] =	vst v63  }
0x37: {  	_ =	swait.ge [sflag:s12], $0xA000  }
0x38: {  	[sflag:s12] =	ssyncset.done $0x0  }
0x39: {  	s21 =	sadd.s32 $0x6400, s10;
	[sflag:s12] =	ssyncadd.s32 $0xFFFF6000  }
0x3a: {  	[hbm4b:s21+s2] =	stream.linear.scatter [tilespmem:s8], [sflag:$0x3], $0xA000, $0x38;
	[tilespmem:$0x15900] =	vst v63  }
0x3b: {  	_ =	swait.ge [sflag:s3], $0xA000  }
0x3c: {  	[sflag:s3] =	ssyncset.done $0x0  }
0x3d: {  	s22 =	simm.s32 $0x1180;
	[sflag:s3] =	ssyncadd.s32 $0xFFFF6000  }
0x3e: {  	[tilespmem:s8], [sflag:$0x2] =	stream.indirect.gather [hbm4b:s5+s6], $0x40, s22, s6, $0xb8;
	[tilespmem:$0x15900] =	vst v63  }
0x3f: {  	_ =	swait.ge [sflag:s9], $0xA000  }
0x40: {  	[sflag:s9] =	ssyncset.done $0x0  }
0x41: {  	s23 =	sadd.s32 $0x7800, s10;
	[sflag:s9] =	ssyncadd.s32 $0xFFFF6000  }
0x42: {  	[hbm4b:s23+s2] =	stream.linear.scatter [tilespmem:s7], [sflag:$0x3], $0xA000, $0x38;
	[tilespmem:$0x15900] =	vst v63  }
0x43: {  	_ =	swait.ge [sflag:s3], $0xA000  }
0x44: {  	[sflag:s3] =	ssyncset.done $0x0  }
0x45: {  	s24 =	simm.s32 $0x1400;
	[sflag:s3] =	ssyncadd.s32 $0xFFFF6000  }
0x46: {  	[tilespmem:s7], [sflag:$0x1] =	stream.indirect.gather [hbm4b:s5+s6], $0x40, s24, s6, $0xb8;
	[tilespmem:$0x15900] =	vst v63  }
0x47: {  	_ =	swait.ge [sflag:s12], $0xA000  }
0x48: {  	[sflag:s12] =	ssyncset.done $0x0  }
0x49: {  	s25 =	sadd.s32 $0x8C00, s10;
	[sflag:s12] =	ssyncadd.s32 $0xFFFF6000  }
0x4a: {  	[hbm4b:s25+s2] =	stream.linear.scatter [tilespmem:s8], [sflag:$0x3], $0xA000, $0x38;
	[tilespmem:$0x15900] =	vst v63  }
0x4b: {  	_ =	swait.ge [sflag:s3], $0xA000  }
0x4c: {  	[sflag:s3] =	ssyncset.done $0x0  }
0x4d: {  	s26 =	simm.s32 $0x1680;
	[sflag:s3] =	ssyncadd.s32 $0xFFFF6000  }
0x4e: {  	[tilespmem:s8], [sflag:$0x2] =	stream.indirect.gather [hbm4b:s5+s6], $0x40, s26, s6, $0xb8;
	[tilespmem:$0x15900] =	vst v63  }
0x4f: {  	_ =	swait.ge [sflag:s9], $0xA000  }
0x50: {  	[sflag:s9] =	ssyncset.done $0x0  }
0x51: {  	s29 =	ssub.s32 $0x2, s29;
	s28 =	sadd.s32 $0xA000, s10;
	[sflag:s9] =	ssyncadd.s32 $0xFFFF6000  }
0x52: {  	[hbm4b:s28+s2] =	stream.linear.scatter [tilespmem:s7], [sflag:$0x3], $0xA000, $0x38;
	[tilespmem:$0x15900] =	vst v63  }
0x53: {  	s30 =	sshrl.u32 s29, $0x1;
	_ =	swait.ge [sflag:s3], $0xA000  }
0x54: {  	s29 =	ssub.s32 s29, s30;
	[sflag:s3] =	ssyncset.done $0x0  }
0x55: {  	s30 =	smax.u32 s29, $0x1;
	[sflag:s3] =	ssyncadd.s32 $0xFFFF6000  }
0x56: {  	p0 =	sne.s32 s30, $0x1;
	_ =	swait.ge [sflag:s12], $0xA000  }
.Ltmp0:
0x57: {  	[sflag:s12] =	ssyncset.done $0x0;
	(pc) =	sbr.rel @!p0 .LBB2_2-.Ltmp0, $4  }
0x58: {  	s29 =	sadd.s32 $0xB400, s10;
	[sflag:s12] =	ssyncadd.s32 $0xFFFF6000  }
0x59: {  	[hbm4b:s29+s2] =	stream.linear.scatter [tilespmem:s8], [sflag:$0x3], $0xA000, $0x38;
	[tilespmem:$0x15900] =	vst v63  }
0x5a: {  	_ =	swait.ge [sflag:s3], $0xA000  }
0x5b: {  	s30 =	sadd.s32 $0xFFFFFFFF, s30;
	[sflag:s3] =	ssyncset.done $0x0  }
.LBB2_1:
0x5c: {  	p0 =	sne.s32 s30, $0x1;
	s30 =	sadd.s32 $0xFFFFFFFF, s30;
	[sflag:s3] =	ssyncadd.s32 $0xFFFF6000  }
0x5d: {  	[tilespmem:s2], [sflag:$0x3] =	stream.linear.gather [hbm4b:s4+s2], $0x1900, $0x38;
	[tilespmem:$0x15900] =	vst v63  }
0x5e: {  	_ =	swait.ge [sflag:s3], $0x1900  }
0x5f: {  	[sflag:s3] =	ssyncset.done $0x0  }
0x60: {  	[sflag:s3] =	ssyncadd.s32 $0xFFFFE700  }
0x61: {  	[tilespmem:s7], [sflag:$0x1] =	stream.indirect.gather [hbm4b:s5+s6], $0x40, s2, s6, $0xb8;
	[tilespmem:$0x15900] =	vst v63  }
0x62: {  	_ = 	snop  }
0x63: {  	[tilespmem:s8], [sflag:$0x2] =	stream.indirect.gather [hbm4b:s5+s6], $0x40, s6, s6, $0xb8;
	[tilespmem:$0x15900] =	vst v63  }
0x64: {  	_ =	swait.ge [sflag:s9], $0xA000  }
0x65: {  	[sflag:s9] =	ssyncset.done $0x0  }
0x66: {  	[sflag:s9] =	ssyncadd.s32 $0xFFFF6000  }
0x67: {  	[hbm4b:s10+s2] =	stream.linear.scatter [tilespmem:s7], [sflag:$0x3], $0xA000, $0x38;
	[tilespmem:$0x15900] =	vst v63  }
0x68: {  	_ =	swait.ge [sflag:s3], $0xA000  }
0x69: {  	[sflag:s3] =	ssyncset.done $0x0  }
0x6a: {  	[sflag:s3] =	ssyncadd.s32 $0xFFFF6000  }
0x6b: {  	[tilespmem:s7], [sflag:$0x1] =	stream.indirect.gather [hbm4b:s5+s6], $0x40, s11, s6, $0xb8;
	[tilespmem:$0x15900] =	vst v63  }
0x6c: {  	_ =	swait.ge [sflag:s12], $0xA000  }
0x6d: {  	[sflag:s12] =	ssyncset.done $0x0  }
0x6e: {  	[sflag:s12] =	ssyncadd.s32 $0xFFFF6000  }
0x6f: {  	[hbm4b:s13+s2] =	stream.linear.scatter [tilespmem:s8], [sflag:$0x3], $0xA000, $0x38;
	[tilespmem:$0x15900] =	vst v63  }
0x70: {  	_ =	swait.ge [sflag:s3], $0xA000  }
0x71: {  	[sflag:s3] =	ssyncset.done $0x0  }
0x72: {  	[sflag:s3] =	ssyncadd.s32 $0xFFFF6000  }
0x73: {  	[tilespmem:s8], [sflag:$0x2] =	stream.indirect.gather [hbm4b:s5+s6], $0x40, s14, s6, $0xb8;
	[tilespmem:$0x15900] =	vst v63  }
0x74: {  	_ =	swait.ge [sflag:s9], $0xA000  }
0x75: {  	[sflag:s9] =	ssyncset.done $0x0  }
0x76: {  	[sflag:s9] =	ssyncadd.s32 $0xFFFF6000  }
0x77: {  	[hbm4b:s15+s2] =	stream.linear.scatter [tilespmem:s7], [sflag:$0x3], $0xA000, $0x38;
	[tilespmem:$0x15900] =	vst v63  }
0x78: {  	_ =	swait.ge [sflag:s3], $0xA000  }
0x79: {  	[sflag:s3] =	ssyncset.done $0x0  }
0x7a: {  	[sflag:s3] =	ssyncadd.s32 $0xFFFF6000  }
0x7b: {  	[tilespmem:s7], [sflag:$0x1] =	stream.indirect.gather [hbm4b:s5+s6], $0x40, s16, s6, $0xb8;
	[tilespmem:$0x15900] =	vst v63  }
0x7c: {  	_ =	swait.ge [sflag:s12], $0xA000  }
0x7d: {  	[sflag:s12] =	ssyncset.done $0x0  }
0x7e: {  	[sflag:s12] =	ssyncadd.s32 $0xFFFF6000  }
0x7f: {  	[hbm4b:s17+s2] =	stream.linear.scatter [tilespmem:s8], [sflag:$0x3], $0xA000, $0x38;
	[tilespmem:$0x15900] =	vst v63  }
0x80: {  	_ =	swait.ge [sflag:s3], $0xA000  }
0x81: {  	[sflag:s3] =	ssyncset.done $0x0  }
0x82: {  	[sflag:s3] =	ssyncadd.s32 $0xFFFF6000  }
0x83: {  	[tilespmem:s8], [sflag:$0x2] =	stream.indirect.gather [hbm4b:s5+s6], $0x40, s18, s6, $0xb8;
	[tilespmem:$0x15900] =	vst v63  }
0x84: {  	_ =	swait.ge [sflag:s9], $0xA000  }
0x85: {  	[sflag:s9] =	ssyncset.done $0x0  }
0x86: {  	[sflag:s9] =	ssyncadd.s32 $0xFFFF6000  }
0x87: {  	[hbm4b:s19+s2] =	stream.linear.scatter [tilespmem:s7], [sflag:$0x3], $0xA000, $0x38;
	[tilespmem:$0x15900] =	vst v63  }
0x88: {  	_ =	swait.ge [sflag:s3], $0xA000  }
0x89: {  	[sflag:s3] =	ssyncset.done $0x0  }
0x8a: {  	[sflag:s3] =	ssyncadd.s32 $0xFFFF6000  }
0x8b: {  	[tilespmem:s7], [sflag:$0x1] =	stream.indirect.gather [hbm4b:s5+s6], $0x40, s20, s6, $0xb8;
	[tilespmem:$0x15900] =	vst v63  }
0x8c: {  	_ =	swait.ge [sflag:s12], $0xA000  }
0x8d: {  	[sflag:s12] =	ssyncset.done $0x0  }
0x8e: {  	[sflag:s12] =	ssyncadd.s32 $0xFFFF6000  }
0x8f: {  	[hbm4b:s21+s2] =	stream.linear.scatter [tilespmem:s8], [sflag:$0x3], $0xA000, $0x38;
	[tilespmem:$0x15900] =	vst v63  }
0x90: {  	_ =	swait.ge [sflag:s3], $0xA000  }
0x91: {  	[sflag:s3] =	ssyncset.done $0x0  }
0x92: {  	[sflag:s3] =	ssyncadd.s32 $0xFFFF6000  }
0x93: {  	[tilespmem:s8], [sflag:$0x2] =	stream.indirect.gather [hbm4b:s5+s6], $0x40, s22, s6, $0xb8;
	[tilespmem:$0x15900] =	vst v63  }
0x94: {  	_ =	swait.ge [sflag:s9], $0xA000  }
0x95: {  	[sflag:s9] =	ssyncset.done $0x0  }
0x96: {  	[sflag:s9] =	ssyncadd.s32 $0xFFFF6000  }
0x97: {  	[hbm4b:s23+s2] =	stream.linear.scatter [tilespmem:s7], [sflag:$0x3], $0xA000, $0x38;
	[tilespmem:$0x15900] =	vst v63  }
0x98: {  	_ =	swait.ge [sflag:s3], $0xA000  }
0x99: {  	[sflag:s3] =	ssyncset.done $0x0  }
0x9a: {  	[sflag:s3] =	ssyncadd.s32 $0xFFFF6000  }
0x9b: {  	[tilespmem:s7], [sflag:$0x1] =	stream.indirect.gather [hbm4b:s5+s6], $0x40, s24, s6, $0xb8;
	[tilespmem:$0x15900] =	vst v63  }
0x9c: {  	_ =	swait.ge [sflag:s12], $0xA000  }
0x9d: {  	[sflag:s12] =	ssyncset.done $0x0  }
0x9e: {  	[sflag:s12] =	ssyncadd.s32 $0xFFFF6000  }
0x9f: {  	[hbm4b:s25+s2] =	stream.linear.scatter [tilespmem:s8], [sflag:$0x3], $0xA000, $0x38;
	[tilespmem:$0x15900] =	vst v63  }
0xa0: {  	_ =	swait.ge [sflag:s3], $0xA000  }
0xa1: {  	[sflag:s3] =	ssyncset.done $0x0  }
0xa2: {  	[sflag:s3] =	ssyncadd.s32 $0xFFFF6000  }
0xa3: {  	[tilespmem:s8], [sflag:$0x2] =	stream.indirect.gather [hbm4b:s5+s6], $0x40, s26, s6, $0xb8;
	[tilespmem:$0x15900] =	vst v63  }
0xa4: {  	_ =	swait.ge [sflag:s9], $0xA000  }
0xa5: {  	[sflag:s9] =	ssyncset.done $0x0  }
0xa6: {  	[sflag:s9] =	ssyncadd.s32 $0xFFFF6000  }
0xa7: {  	[hbm4b:s28+s2] =	stream.linear.scatter [tilespmem:s7], [sflag:$0x3], $0xA000, $0x38;
	[tilespmem:$0x15900] =	vst v63  }
0xa8: {  	_ =	swait.ge [sflag:s3], $0xA000  }
0xa9: {  	[sflag:s3] =	ssyncset.done $0x0  }
0xaa: {  	[sflag:s3] =	ssyncadd.s32 $0xFFFF6000  }
0xab: {  	_ =	swait.ge [sflag:s12], $0xA000  }
.Ltmp1:
0xac: {  	[sflag:s12] =	ssyncset.done $0x0;
	(pc) =	sbr.rel @p0 .LBB2_1-.Ltmp1, $4  }
0xad: {  	[sflag:s12] =	ssyncadd.s32 $0xFFFF6000  }
0xae: {  	[hbm4b:s29+s2] =	stream.linear.scatter [tilespmem:s8], [sflag:$0x3], $0xA000, $0x38;
	[tilespmem:$0x15900] =	vst v63  }
0xaf: {  	_ =	swait.ge [sflag:s3], $0xA000  }
0xb0: {  	[sflag:s3] =	ssyncset.done $0x0  }
.LBB2_2:
0xb1: {  	[sflag:s3] =	ssyncadd.s32 $0xFFFF6000  }
0xb2: {  	_ =	sfence.sel $0x180000  }
0xb3: {  	[bflag:$0x0] =	sbarrier.arrive $0xFFFF  }
0xb4: {  	p0 =	sne.s32 s0, $0x0;
	_ =	strace $0x90000047  }
0xb5: {  	s0 =	sadd.s32 @!p0 $0x100000, s1;
	[bflag:$0x2] =	sbarrier.arrive $0xFFFF  }
0xb6: {  	[sflag:s0] =	ssyncadd.tile.s32 @!p0 $0x1;
	_ =	shalt  }
.Lfunc_end2:
_tile_overlayer_lowered:
.L_overlay_start_2:
0xb7: {  	(tag) =	ssettag $0x2  }
0xb8: {  	s0 =	rddreg [dreg:$0x0];
	s2 =	stileid.u32  }
0xb9: {  	s1 =	rddreg [dreg:$0x1];
	p0 =	sne.s32 s2, $0x0  }
0xba: {  	s3 =	rddreg [dreg:$0x2];
	[bflag:$0x3] =	sbarrier.arrive $0xFFFF;
	s2 =	simm.s32 @!p0 $0x1C03  }
0xbb: {  	[timem:s3], [sflag:s2] =	dma.local @!p0 [hbm:s0], s1  }
0xbc: {  	s0 =	simm.s32 @!p0 $0x3  }
0xbd: {  	_ =	swait.ge @!p0 [sflag:s0], s1  }
0xbe: {  	s1 =	ssub.s32 @!p0 $0x0, s1;
	[sflag:s0] =	ssyncset.done @!p0 $0x0  }
0xbf: {  	[sflag:s0] =	ssyncadd.s32 @!p0 s1  }
0xc0: {  	[bflag:$0x3] =	sbarrier.arrive $0xFFFF  }
0xc1: {  	_ =	shalt  }

// kernel: sparse-core-data-format-call.cloned.1.call-start
scs
called_computation_lowered:
.L_overlay_start_0:
0x0: {  	s2 =	sld [smem:$0x3FD9]  }
0x1: {  	s3 =	sld [smem:$0x3FFE];
	_ =	sdelay $0x1  }
0x2: {  	s1 =	srdreg.scid  }
0x3: {  	s0 =	sand.u32 $0x1, s1  }
0x4: {  	s18 =	sshll.u32 s0, $0xA;
	s2 =	sadd.s32 s3, s2  }
0x5: {  	s2 =	sadd.s32 s2, s18  }
0x6: {  	[smem:$0x3FC5] =	sst s2  }
0x7: {  	_ = 	snop  }
0x8: {  	s2 =	sld [smem:$0x3FD0];
	(tm) =	ssettm $0x1  }
0x9: {  	s19 =	sld [smem:$0x3FFB];
	_ =	sdelay $0x3  }
0xa: {  	_ =	strace s19  }
0xb: {  	s3 =	sld [smem:$0x3FFC];
	_ =	sdelay $0x3  }
0xc: {  	_ =	strace s3  }
0xd: {  	s3 =	sld [smem:$0x3FFD];
	_ =	sdelay $0x3  }
0xe: {  	_ =	strace s3  }
0xf: {  	_ =	strace $0x8FFFFFFF  }
0x10: {  	s20 =	sld [smem:$0x3FDB];
	_ =	sdelay $0x1  }
0x11: {  	s4 =	simm.s32 $_scs_section_size  }
0x12: {  	s5 =	simm.s32 $_size__tile_overlayer_lowered;
	s6 =	simm.s32 $_tile_overlayer_lowered  }
0x13: {  	s23 =	simm.s32 $0x1BFF;
	s22 =	sshll.u32 s6, $0x1;
	s3 =	sadd.s32 s4, s20  }
0x14: {  	s7 =	simm.s32 $0x0;
	s21 =	sshll.u32 s5, $0x1;
	s5 =	sadd.s32 s22, s3  }
0x15: {  	[timem:s7], [sflag:s23] =	dma.local [hbm:s5], s21  }
0x16: {  	_ =	swait.ge [sflag:s23], s21  }
0x17: {  	s4 =	ssub.s32 $0x0, s21;
	[sflag:s23] =	ssyncset.done $0x0  }
0x18: {  	[sflag:s23] =	ssyncadd.s32 s4;
	_ =	sdelay $0x1  }
0x19: {  	s24 =	simm.s32 $0x1B8B  }
0x1a: {  	_ =	swait.ge [sflag:s24], $0x1  }
0x1b: {  	[sflag:s24] =	ssyncset.done $0x0  }
0x1c: {  	s26 =	simm.s32 $0x1B8E;
	s25 =	sld [smem:$0x3FFE];
	[sflag:s24] =	ssyncadd.s32 $0xFFFFFFFF  }
0x1d: {  	s27 =	simm.s32 $execute0_lowered;
	[smem:$0x3FD2] =	sst s26  }
0x1e: {  	s5 =	sshll.u32 s27, $0x1;
	_ =	strace $0x80000049;
	[dreg:$0x1] =	wrdreg $0xFFFFFFFF  }
0x1f: {  	s28 =	simm.s32 $_size_execute0_lowered;
	s3 =	sadd.s32 s3, s5;
	[dreg:$0x0] =	wrdreg $0x0  }
0x20: {  	s5 =	sshll.u32 s28, $0x1;
	[dreg:$0x2] =	wrdreg s3  }
0x21: {  	[dreg:$0x3] =	wrdreg s5  }
0x22: {  	[dreg:$0x4] =	wrdreg $0xC0  }
0x23: {  	_ =	task [dreg:s7], $0x5FFFF  }
0x24: {  	[dreg:$0x1] =	wrdreg $0xFFFFFFFF  }
0x25: {  	[dreg:$0x0] =	wrdreg $0x60  }
0x26: {  	[dreg:$0x2] =	wrdreg s25  }
0x27: {  	[dreg:$0x3] =	wrdreg s2  }
0x28: {  	[dreg:$0x4] =	wrdreg $0x9  }
0x29: {  	_ =	task.clear_ibuf [dreg:s7], $0x5FFFF;
	_ =	strace $0x90000049  }
0x2a: {  	s29 =	simm.s32 $0x9;
	_ =	strace $0x8000004B  }
0x2b: {  	_ =	swait.ge [sflag:s29], $0x1  }
0x2c: {  	[sflag:s29] =	ssyncadd.s32 $0xFFFFFFFF  }
0x2d: {  	_ =	strace $0x9000004B  }
0x2e: {  	_ =	sfence  }
0x2f: {  	s30 =	sld [smem:$0x0];
	_ =	sdelay $0x2  }
0x30: {  	s31 =	sshll.u32 s1, $0xD;
	s1 =	sshrl.u32 s1, $0x2  }
0x31: {  	s3 =	sand.u32 $0x4000, s31;
	s1 =	sadd.s32 s1, s30  }
0x32: {  	s0 =	sor.u32 s3, s0;
	s1 =	sshll.u32 s1, $0x11  }
0x33: {  	s0 =	sor.u32 s1, s0  }
0x34: {  	s0 =	sadd.s32 $0x8F2B, s0  }
0x35: {  	[sflag:s0] =	ssyncadd.remote.s32 $0x1  }
0x36: {  	_ =	sfence.sel $0xFFFF  }
0x37: {  	[dreg:$0x0] =	wrdreg $0xFFFFFFFF;
	(pc) =	sbr.abs _section_cstart, $3  }
0x38: {  	[dreg:$0x1] =	wrdreg $0xFFFFFFFF  }
0x39: {  	_ =	task.clear_ibuf [dreg:s7], $0x2FFFF;
	_ =	strace $0x9FFFFFFF  }
0x3a: {  	(tm) =	ssettm $0x7FFFFFFF  }
0x3b: {  	_ =	shalt  }
tec
execute0_lowered:
.L_overlay_start_1:
0x0: {  	(tag) =	ssettag $0x1  }
0x1: {  	s0 =	stileid.u32;
	s6 =	rddreg [dreg:$0x0]  }
0x2: {  	s2 =	rddreg [dreg:$0x1];
	s5 =	srdreg.scid  }
0x3: {  	s31 =	simm.s32 $0x2;
	s13 =	simm.s32 $0x0;
	s1 =	sshll.u32 s0, $0x7  }
0x4: {  	s14 =	simm.s32 $0x0;
	s12 =	simm.s32 $0x0;
	s3 =	sand.u32 $0x380, s1  }
0x5: {  	s5 =	sshll.u32 s5, $0x4;
	s6 =	sadd.s32 $0xE00, s6;
	s4 =	ssub.s32 $0x400, s3  }
0x6: {  	s1 =	rddreg [dreg:$0x2];
	_ =	strace $0x8000004A;
	s7 =	sand.u32 $0x380, s4  }
0x7: {  	s5 =	sand.u32 $0x10, s5;
	p0 =	sne.s32 s7, $0x0;
	s7 =	simm.s32 $0x1  }
.Ltmp0:
0x8: {  	s8 =	sshrl.u32 s4, $0xA;
	s7 =	simm.s32 @!p0 $0x0;
	(pc) =	sbr.rel .LBB1_1-.Ltmp0, $4  }
0x9: {  	s9 =	sor.u32 s0, s5;
	s4 =	simm.s32 $0x1;
	s30 =	sadd.s32 s7, s8  }
0xa: {  	s11 =	smov.u32 s3;
	[sflag:s4] =	ssyncpa.u1 $0x0;
	s5 =	smul.u32 $0x32, s30  }
0xb: {  	[sflag:s31] =	ssyncpa.u1 $0x0;
	p0 =	por $0x0, $0x0;
	s7 =	sshrl.u32 s9, $0x3  }
0xc: {  	s9 =	simm.s32 $0x2000;
	s10 =	smov.u32 s7;
	s8 =	sor.u32 $0x1, s5  }
.LBB1_4:
0xd: {  	s17 =	sand.u32 $0x1F80, s14;
	s13 =	sshll.u32 s13, $0xD  }
0xe: {  	[tilespmem:s16+$0x810 ss:$0x81] =	vst.msk $0xffff, v2;
	s18 =	sshrl.u32 s14, $0x3;
	s31 =	sand.u32 $0x7, s14;
	s17 =	sadd.s32 s2, s17  }
0xf: {  	[tilespmem:s16+$0x1020 ss:$0x81] =	vst.msk $0xffff, v0;
	s18 =	sand.u32 $0xF, s18;
	s14 =	sshll.u32 s31, $0x12;
	s13 =	sadd.s32 s13, s17  }
0x10: {  	[tilespmem:s16+$0x0 ss:$0x81] =	vst.msk $0xffff, v1;
	s14 =	sor.u32 $0x400, s14;
	s13 =	sadd.s32 s18, s13  }
0x11: {  	[hbm4b:s13+s14] =	stream.strided.scatter [tilespmem:s15], [sflag:$0x2], $0x2000, s9, s14, $0x20;
	[tilespmem:$0x8080] =	vst v63  }
.LBB1_5:
0x12: {  	s15 =	sadd.s32 $0x4, s10  }
0x13: {  	s13 =	sadd.s32 $0x400, s11;
	s17 =	smov.u32 s11;
	p2 =	sgt.s32 s15, $0xC7  }
0x14: {  	s17 =	smov.u32 @p2 s13  }
0x15: {  	s15 =	smov.u32 @p2 s7;
	p2 =	sgt.s32 s17, $0x3FF  }
0x16: {  	s17 =	smov.u32 @p2 s3;
	p2 =	sne.s32 s12, s8  }
.Ltmp1:
0x17: {  	p1 =	slt.u32 s12, $0x2;
	(pc) =	sbr.rel @!p2 .LBB1_6-.Ltmp1, $4  }
0x18: {  	s16 =	simm.s32 @!p1 $0x2  }
0x19: {  	s14 =	smov.u32 s11;
	p0 =	por !p0, !p0;
	_ =	swait.ge @!p1 [sflag:s16], $0x2000  }
0x1a: {  	s13 =	smov.u32 s10;
	[sflag:s16] =	ssyncset.done @!p1 $0x0;
	s10 =	smov.u32 s15  }
0x1b: {  	s12 =	sadd.s32 $0x1, s12;
	[sflag:s16] =	ssyncadd.s32 @!p1 $0xFFFFE000;
	s11 =	smov.u32 s17  }
.LBB1_1:
0x1c: {  	p1 =	sge.u32 s12, s5  }
0x1d: {  	s15 =	sand.u32 @!p1 $0x1FFFFFF, s10  }
0x1e: {  	s16 =	smulhi.u32 @!p1 $0x147AE15, s15;
	_ =	sdelay $0x1  }
0x1f: {  	s16 =	smul.u32 @!p1 $0xC8, s16  }
0x20: {  	s17 =	sxor.u32 @!p1 $0xFFFFFFFF, s12;
	s18 =	smul.u32 @!p1 $0xC80, s11  }
0x21: {  	s31 =	sadd.s32 $0xFFFFFFFF, s12;
	s17 =	sshll.u32 @!p1 s17, $0xD;
	s15 =	ssub.s32 @!p1 s15, s16  }
0x22: {  	s16 =	sand.u32 @!p1 $0x2000, s17;
	s17 =	sadd.s32 @!p1 s6, s18;
	s15 =	sshll.u32 @!p1 s15, $0x4  }
0x23: {  	s18 =	simm.s32 @!p1 $0x6400;
	s15 =	sadd.s32 @!p1 s15, s17;
	s17 =	simm.s32 @!p1 $0x40  }
0x24: {  	[tilespmem:s16], [sflag:$0x1] =	stream.strided.gather @!p1 [hbm4b:s15+s17], $0x2000, s18, s17, $0x38;
	[tilespmem:$0x8080] =	vst v63  }
0x25: {  	p1 =	sge.u32 s31, s5  }
.Ltmp2:
0x26: {  	_ = 	snop;
	(pc) =	sbr.rel @p1 .LBB1_5-.Ltmp2, $1  }
0x27: {  	_ =	sdelay $0x3  }
0x28: {  	s15 =	simm.s32 $0x1  }
0x29: {  	_ =	swait.ge [sflag:s4], $0x2000;
	s15 =	simm.s32 @!p0 $0x0  }
0x2a: {  	[sflag:s4] =	ssyncset.done $0x0;
	s16 =	sshll.u32 s15, $0xD  }
0x2b: {  	[sflag:s4] =	ssyncadd.s32 $0xFFFFE000;
	s19 =	sor.u32 $0x20, s16  }
0x2c: {  	s15 =	smul.u32 $0x8100, s15;
	v3 =	vld [tilespmem:s19+$0x10]  }
0x2d: {  	s30 =	sand.u32 $0x1, s12;
	v2 =	vld [tilespmem:s19+$0xFFFFFFF0]  }
0x2e: {  	s16 =	smul.u32 $0x8100, s30;
	s15 =	sshrl.u32 s15, $0x2;
	v0 =	vld [tilespmem:s19+$0x0]  }
0x2f: {  	v1 =	vld [tilespmem:s19+$0xFFFFFFE0];
	s17 =	sor.u32 $0x4000, s15  }
0x30: {  	s31 =	sshrl.u32 s16, $0x2;
	s16 =	sadd.s32 $0x0, s17  }
0x31: {  	s18 =	simm.s32 $0x4;
	s19 =	sadd.s32 $0x40, s19;
	s15 =	sor.u32 $0x4000, s31;
	[tilespmem:s16+$0x1830 ss:$0x81] =	vst.msk $0xffff, v3  }
.LBB1_3:
0x32: {  	v3 =	vld [tilespmem:s19+$0x10];
	p1 =	sne.s32 s18, $0x1FC;
	[tilespmem:s16+$0x810 ss:$0x81] =	vst.msk $0xffff, v2;
	s20 =	smov.u32 s18;
	s18 =	sadd.s32 $0x4, s18  }
.Ltmp3:
0x33: {  	v2 =	vld [tilespmem:s19+$0xFFFFFFF0];
	[tilespmem:s16+$0x1020 ss:$0x81] =	vst.msk $0xffff, v0;
	(pc) =	sbr.rel @p1 .LBB1_3-.Ltmp3, $4  }
0x34: {  	v0 =	vld [tilespmem:s19+$0x0];
	[tilespmem:s16+$0x0 ss:$0x81] =	vst.msk $0xffff, v1  }
0x35: {  	s16 =	sshra.s32 s20, $0x2;
	v1 =	vld [tilespmem:s19+$0xFFFFFFE0]  }
0x36: {  	s16 =	sadd.s32 s16, s17  }
0x37: {  	s19 =	sadd.s32 $0x40, s19;
	[tilespmem:s16+$0x1830 ss:$0x81] =	vst.msk $0xffff, v3  }
.Ltmp4:
0x38: {  	_ = 	snop;
	(pc) =	sbr.rel .LBB1_4-.Ltmp4, $1  }
0x39: {  	_ =	sdelay $0x3  }
.LBB1_6:
0x3a: {  	_ =	sfence.sel $0x180000  }
0x3b: {  	s2 =	simm.s32 $0x1;
	[bflag:$0x0] =	sbarrier.arrive $0xFFFF  }
0x3c: {  	s31 =	simm.s32 $0x2;
	[sflag:s2] =	ssyncpa.u1 $0x1  }
0x3d: {  	[sflag:s31] =	ssyncpa.u1 $0x1  }
0x3e: {  	p0 =	sne.s32 s0, $0x0;
	_ =	strace $0x9000004A  }
0x3f: {  	s0 =	sadd.s32 @!p0 $0x100000, s1;
	[bflag:$0x2] =	sbarrier.arrive $0xFFFF  }
0x40: {  	[sflag:s0] =	ssyncadd.tile.s32 @!p0 $0x1;
	_ =	shalt  }
.Lfunc_end1:
_tile_overlayer_lowered:
.L_overlay_start_2:
0x41: {  	(tag) =	ssettag $0x2  }
0x42: {  	s0 =	rddreg [dreg:$0x0];
	s2 =	stileid.u32  }
0x43: {  	s1 =	rddreg [dreg:$0x1];
	p0 =	sne.s32 s2, $0x0  }
0x44: {  	s3 =	rddreg [dreg:$0x2];
	[bflag:$0x3] =	sbarrier.arrive $0xFFFF;
	s2 =	simm.s32 @!p0 $0x1C01  }
0x45: {  	[timem:s3], [sflag:s2] =	dma.local @!p0 [hbm:s0], s1  }
0x46: {  	s0 =	simm.s32 @!p0 $0x1  }
0x47: {  	_ =	swait.ge @!p0 [sflag:s0], s1  }
0x48: {  	s1 =	ssub.s32 @!p0 $0x0, s1;
	[sflag:s0] =	ssyncset.done @!p0 $0x0  }
0x49: {  	[sflag:s0] =	ssyncadd.s32 @!p0 s1  }
0x4a: {  	[bflag:$0x3] =	sbarrier.arrive $0xFFFF  }
0x4b: {  	_ =	shalt  }

</sc_bundles>
